<compile_context>
chip_gen: v7x
topology: tpu7x:2x2x1
jax: 0.10.2.dev20260603
libtpu: 0.0.44.dev20260713+nightly
codegen_flags: <defaults>
</compile_context>

<pallas_src>
import functools

import jax
import jax.numpy as jnp
from jax import lax
from jax.experimental import pallas as pl
from jax.experimental.pallas import tpu as pltpu
from jax.experimental.pallas import tpu_sc as plsc



_LANES = 16


def _sc_bias_gather(U, I, I_neg_flat, b_u, b_i):
    B = U.shape[0]
    BN = I_neg_flat.shape[0]
    nneg = BN // B
    info = plsc.get_sparse_core_info()
    NC, NS = info.num_cores, info.num_subcores
    NW = NC * NS
    pos_w = B // NW
    neg_w = BN // NW
    mesh = plsc.VectorSubcoreMesh(core_axis_name="c", subcore_axis_name="s")

    @functools.partial(
        pl.kernel,
        out_type=(
            jax.ShapeDtypeStruct((B,), jnp.float32),
            jax.ShapeDtypeStruct((B,), jnp.float32),
            jax.ShapeDtypeStruct((BN,), jnp.float32),
        ),
        mesh=mesh,
        scratch_types=[
            pltpu.VMEM((pos_w,), jnp.int32),
            pltpu.VMEM((pos_w,), jnp.int32),
            pltpu.VMEM((neg_w,), jnp.int32),
            pltpu.VMEM((pos_w,), jnp.float32),
            pltpu.VMEM((pos_w,), jnp.float32),
            pltpu.VMEM((neg_w,), jnp.float32),
            pltpu.VMEM((pos_w,), jnp.float32),
            pltpu.SemaphoreType.DMA,
        ],
    )
    def sc_fn(u_hbm, i_hbm, ineg_hbm, bu_hbm, bi_hbm, pos_hbm, bug_hbm,
              neg_hbm, u_v, i_v, n_v, buv, biv, binv, posv, sem):
        wid = lax.axis_index("s") * NC + lax.axis_index("c")
        pbase = wid * pos_w
        nbase = wid * neg_w
        pltpu.sync_copy(u_hbm.at[pl.ds(pbase, pos_w)], u_v)
        pltpu.sync_copy(i_hbm.at[pl.ds(pbase, pos_w)], i_v)
        pltpu.sync_copy(ineg_hbm.at[pl.ds(nbase, neg_w)], n_v)
        c1 = pltpu.async_copy(bu_hbm.at[u_v], buv, sem)
        c2 = pltpu.async_copy(bi_hbm.at[i_v], biv, sem)
        c3 = pltpu.async_copy(bi_hbm.at[n_v], binv, sem)
        c1.wait()
        c2.wait()
        c3.wait()

        def pos_body(i, _):
            sl = pl.ds(i * _LANES, _LANES)
            posv[sl] = buv[sl] + biv[sl]
            return 0

        lax.fori_loop(0, pos_w // _LANES, pos_body, 0)

        pltpu.sync_copy(posv, pos_hbm.at[pl.ds(pbase, pos_w)])
        pltpu.sync_copy(buv, bug_hbm.at[pl.ds(pbase, pos_w)])
        pltpu.sync_copy(binv, neg_hbm.at[pl.ds(nbase, neg_w)])

    return sc_fn(U, I, I_neg_flat, b_u, b_i)




def _tc_body(xT_ref, niT_ref, nnT_ref, ind_ref, wpT_ref, wq_ref, amat_ref,
             rmat_ref, r_ref, rneg_ref):
    sT = jnp.dot(xT_ref[...], amat_ref[...],
                 preferred_element_type=jnp.float32)
    niT = niT_ref[...]
    cT = sT - niT * ind_ref[...]
    pcT = jnp.dot(wpT_ref[...], cT,
                  preferred_element_type=jnp.float32)
    tT = jnp.dot(wq_ref[...], pcT,
                 preferred_element_type=jnp.float32)
    pq = jnp.sum(tT * niT, axis=0, keepdims=True)
    r_ref[...] = pq
    t_rep = jnp.dot(tT, rmat_ref[...],
                    preferred_element_type=jnp.float32)
    pqn = jnp.sum(nnT_ref[...] * t_rep, axis=0, keepdims=True)
    rneg_ref[...] = pqn


def _tc_call(xT, niT, nnT, ind_row, W_PT, W_Q, H, NN, BU=256):
    D, B = niT.shape
    grid = (B // BU,)
    tok = lax.broadcasted_iota(jnp.int32, (BU * H, BU), 0)
    usr = lax.broadcasted_iota(jnp.int32, (BU * H, BU), 1)
    amat = (tok // H == usr).astype(jnp.float32)
    usr2 = lax.broadcasted_iota(jnp.int32, (BU, BU * NN), 0)
    slot = lax.broadcasted_iota(jnp.int32, (BU, BU * NN), 1)
    rmat = (slot // NN == usr2).astype(jnp.float32)
    return pl.pallas_call(
        _tc_body,
        grid=grid,
        in_specs=[
            pl.BlockSpec((D, BU * H), lambda i: (0, i)),
            pl.BlockSpec((D, BU), lambda i: (0, i)),
            pl.BlockSpec((D, BU * NN), lambda i: (0, i)),
            pl.BlockSpec((1, BU), lambda i: (0, i)),
            pl.BlockSpec((D, D), lambda i: (0, 0)),
            pl.BlockSpec((D, D), lambda i: (0, 0)),
            pl.BlockSpec((BU * H, BU), lambda i: (0, 0)),
            pl.BlockSpec((BU, BU * NN), lambda i: (0, 0)),
        ],
        out_specs=[
            pl.BlockSpec((1, BU), lambda i: (0, i)),
            pl.BlockSpec((1, BU * NN), lambda i: (0, i)),
        ],
        out_shape=[
            jax.ShapeDtypeStruct((1, B), jnp.float32),
            jax.ShapeDtypeStruct((1, B * NN), jnp.float32),
        ],
    )(xT, niT, nnT, ind_row, W_PT, W_Q, amat, rmat)


def _combine_body(pq_ref, pqn_ref, bpos_ref, bug_ref, bneg_ref, rmat_ref,
                  r_ref, rneg_ref):
    r_ref[...] = pq_ref[...] + bpos_ref[...]
    bug_rep = jnp.dot(bug_ref[...], rmat_ref[...],
                      preferred_element_type=jnp.float32)
    rneg_ref[...] = pqn_ref[...] + bug_rep + bneg_ref[...]


def _combine_call(pq_row, pqn_row, bpos_row, bug_row, bneg_row, NN, CU=512):
    B = pq_row.shape[1]
    usr = lax.broadcasted_iota(jnp.int32, (CU, CU * NN), 0)
    slot = lax.broadcasted_iota(jnp.int32, (CU, CU * NN), 1)
    rmat = (slot // NN == usr).astype(jnp.float32)
    return pl.pallas_call(
        _combine_body,
        grid=(B // CU,),
        in_specs=[
            pl.BlockSpec((1, CU), lambda i: (0, i)),
            pl.BlockSpec((1, CU * NN), lambda i: (0, i)),
            pl.BlockSpec((1, CU), lambda i: (0, i)),
            pl.BlockSpec((1, CU), lambda i: (0, i)),
            pl.BlockSpec((1, CU * NN), lambda i: (0, i)),
            pl.BlockSpec((CU, CU * NN), lambda i: (0, 0)),
        ],
        out_specs=[
            pl.BlockSpec((1, CU), lambda i: (0, i)),
            pl.BlockSpec((1, CU * NN), lambda i: (0, i)),
        ],
        out_shape=[
            jax.ShapeDtypeStruct((1, B), jnp.float32),
            jax.ShapeDtypeStruct((1, B * NN), jnp.float32),
        ],
    )(pq_row, pqn_row, bpos_row, bug_row, bneg_row, rmat)


def kernel(I, U, I_neg, I_U, N_U, nf_i, nf_u, nf_neg, I_in_I_U, W_P, W_Q,
           b_u, b_i):
    B = I.shape[0]
    D = nf_i.shape[1]
    H = nf_u.shape[0] // B
    NN = I_neg.shape[1]
    base_pos, bu_g, bineg_g = _sc_bias_gather(U, I, I_neg.reshape(-1), b_u,
                                              b_i)
    pq_row, pqn_row = _tc_call(
        nf_u.T,
        nf_i.T,
        nf_neg.T,
        I_in_I_U.astype(jnp.float32).reshape(1, B),
        W_P.T,
        W_Q,
        H,
        NN,
    )
    r_row, rneg_row = _combine_call(
        pq_row,
        pqn_row,
        base_pos.reshape(1, B),
        bu_g.reshape(1, B),
        bineg_g.reshape(1, B * NN),
        NN,
    )
    return r_row.reshape(B), rneg_row.reshape(B, NN)

# --- scband reference (transcript-rebuilt; emitter-appended) ---
"""Pipeline reference for scband-fism-54760833024108 (READ-ONLY COPY).

The authoritative reference and input builder live on the scoring server;
editing this copy changes nothing except your own understanding.
"""

import jax, jax.numpy as jnp
import numpy as np

B = 16384
HIST = 50
TOTAL = B * HIST
D = 64
NNEG = 4
N_USERS = 100000
N_ITEMS = 100000
ALPHA = 0.0


def setup_inputs(seed: int = 0) -> dict:
    key = jax.random.key(seed)
    ks = jax.random.split(key, 13)
    I = jax.random.randint(ks[0], (B,), 0, N_ITEMS, dtype=jnp.int32)
    U = jax.random.randint(ks[1], (B,), 0, N_USERS, dtype=jnp.int32)
    I_neg = jax.random.randint(ks[2], (B, NNEG), 0, N_ITEMS, dtype=jnp.int32)
    I_U = jax.random.randint(ks[3], (TOTAL,), 0, N_ITEMS, dtype=jnp.int32)
    # Fixed-length histories so total token count is static under jit
    N_U = jnp.full((B,), HIST, dtype=jnp.int32)
    nf_i = jax.random.normal(ks[4], (B, D), dtype=jnp.float32)
    nf_u = jax.random.normal(ks[5], (TOTAL, D), dtype=jnp.float32)
    nf_neg = jax.random.normal(ks[6], (B * NNEG, D), dtype=jnp.float32)
    I_in_I_U = jax.random.randint(ks[7], (B,), 0, 2, dtype=jnp.int32)
    # P and Q PinSAGE encoders modeled as single linear maps over node features
    W_P = jax.random.normal(ks[8], (D, D), dtype=jnp.float32) * 0.05
    W_Q = jax.random.normal(ks[9], (D, D), dtype=jnp.float32) * 0.05
    # bias parameters (nn.Parameter initialized to zeros; use small noise for nontrivial output)
    b_u = jax.random.normal(ks[10], (N_USERS,), dtype=jnp.float32) * 0.01
    b_i = jax.random.normal(ks[11], (N_ITEMS,), dtype=jnp.float32) * 0.01
    return {
        "I": I, "U": U, "I_neg": I_neg, "I_U": I_U, "N_U": N_U,
        "nf_i": nf_i, "nf_u": nf_u, "nf_neg": nf_neg, "I_in_I_U": I_in_I_U,
        "W_P": W_P, "W_Q": W_Q, "b_u": b_u, "b_i": b_i,
    }


def reference(I, U, I_neg, I_U, N_U, nf_i, nf_u, nf_neg, I_in_I_U, W_P, W_Q, b_u, b_i):
    batch_size = I.shape[0]
    # Q(I, nf_i), P(I_U, nf_u), P(I, nf_i) modeled as linear encoders over node features
    q = nf_i @ W_Q
    p = nf_u @ W_P
    p_self = nf_i @ W_P
    # U_idx = arange(B).repeat_interleave(N_U)
    U_idx = jnp.repeat(jnp.arange(batch_size), N_U, total_repeat_length=nf_u.shape[0])
    # scatter_add over history items per user (SparseCore segment reduce)
    p_sum = jax.ops.segment_sum(p, U_idx, num_segments=batch_size)
    ind = I_in_I_U.astype(jnp.float32)
    p_ctx = p_sum - p_self * ind[:, None]
    div = jnp.maximum(N_U.astype(jnp.float32) - ind, 1.0) ** ALPHA
    p_ctx_avg = p_ctx / div[:, None]
    pq = jnp.sum(p_ctx_avg * q, axis=1)
    r = b_u[U] + b_i[I] + pq
    # negative items
    q_neg = (nf_neg @ W_Q).reshape(batch_size, I_neg.shape[1], -1)
    pq_neg = jnp.sum(p_ctx_avg[:, None, :] * q_neg, axis=2)
    r_neg = b_u[U][:, None] + b_i[I_neg] + pq_neg
    return (r, r_neg)

if __name__ == "__main__":
    import jax
    _d = setup_inputs()
    print(jax.jit(kernel)(*tuple(_d.values())))

</pallas_src>

<mosaic_0001>
#map = affine_map<(d0, d1) -> (0)>
module attributes {stable_mosaic.version = 14 : i64} {
  func.func @sc_fn(%arg0: i32, %arg1: i32, %arg2: memref<16384xi32, #tpu.memory_space<hbm>>, %arg3: memref<16384xi32, #tpu.memory_space<hbm>>, %arg4: memref<65536xi32, #tpu.memory_space<hbm>>, %arg5: memref<100000xf32, #tpu.memory_space<hbm>>, %arg6: memref<100000xf32, #tpu.memory_space<hbm>>, %arg7: memref<16384xf32, #tpu.memory_space<hbm>>, %arg8: memref<16384xf32, #tpu.memory_space<hbm>>, %arg9: memref<65536xf32, #tpu.memory_space<hbm>>, %arg10: memref<512xi32, #tpu.memory_space<vmem>>, %arg11: memref<512xi32, #tpu.memory_space<vmem>>, %arg12: memref<2048xi32, #tpu.memory_space<vmem>>, %arg13: memref<512xf32, #tpu.memory_space<vmem>>, %arg14: memref<512xf32, #tpu.memory_space<vmem>>, %arg15: memref<2048xf32, #tpu.memory_space<vmem>>, %arg16: memref<512xf32, #tpu.memory_space<vmem>>, %arg17: memref<!tpu.dma_semaphore, #tpu.memory_space<semaphore_mem>>) attributes {dimension_semantics = [#tpu.dimension_semantics<core_parallel>, #tpu.dimension_semantics<subcore_parallel>], iteration_bounds = array<i64: 2, 16>, scalar_prefetch = 0 : i64, scratch_operands = 8 : i64, tpu.core_type = #tpu.core_type<sc_vector_subcore>, window_params = [{transform_indices = #map}, {transform_indices = #map}, {transform_indices = #map}, {transform_indices = #map}, {transform_indices = #map}, {transform_indices = #map}, {transform_indices = #map}, {transform_indices = #map}]} {
    %mul3A = arith.constant 2 : i32
    %mul3A_0 = arith.muli %arg1, %mul3A : i32
    %add3A = arith.addi %mul3A_0, %arg0 : i32
    %mul3A_1 = arith.constant 512 : i32
    %mul3A_2 = arith.muli %add3A, %mul3A_1 : i32
    %mul3A_3 = arith.constant 2048 : i32
    %mul3A_4 = arith.muli %add3A, %mul3A_3 : i32
    "tpu.region"() ({
      %run_scoped3A = tpu.sem_alloc : memref<!tpu.dma_semaphore, #tpu.memory_space<semaphore_mem>>
      %dma_start3A_21 = tpu.memref_slice %arg2[%mul3A_2] : memref<16384xi32, #tpu.memory_space<hbm>> -> memref<512xi32, #tpu.memory_space<hbm>>
      %dma_start3A_22 = tpu.memref_slice %arg2[%mul3A_2] : memref<16384xi32, #tpu.memory_space<hbm>> -> memref<512xi32, #tpu.memory_space<hbm>>
      tpu.enqueue_dma source(%dma_start3A_22 : memref<512xi32, #tpu.memory_space<hbm>>) target(%arg10 : memref<512xi32, #tpu.memory_space<vmem>>) target_semaphore(%run_scoped3A : memref<!tpu.dma_semaphore, #tpu.memory_space<semaphore_mem>>)
      %dma_wait3A_23 = tpu.memref_slice %arg2[%mul3A_2] : memref<16384xi32, #tpu.memory_space<hbm>> -> memref<512xi32, #tpu.memory_space<hbm>>
      %dma_wait3A_24 = tpu.memref_slice %arg2[%mul3A_2] : memref<16384xi32, #tpu.memory_space<hbm>> -> memref<512xi32, #tpu.memory_space<hbm>>
      tpu.wait_dma2 semaphore(%run_scoped3A : memref<!tpu.dma_semaphore, #tpu.memory_space<semaphore_mem>>) src(%dma_wait3A_24 : memref<512xi32, #tpu.memory_space<hbm>>) dst(%arg10 : memref<512xi32, #tpu.memory_space<vmem>>)
      tpu.yield
    }) : () -> ()
    "tpu.region"() ({
      %run_scoped3A = tpu.sem_alloc : memref<!tpu.dma_semaphore, #tpu.memory_space<semaphore_mem>>
      %dma_start3A_21 = tpu.memref_slice %arg3[%mul3A_2] : memref<16384xi32, #tpu.memory_space<hbm>> -> memref<512xi32, #tpu.memory_space<hbm>>
      %dma_start3A_22 = tpu.memref_slice %arg3[%mul3A_2] : memref<16384xi32, #tpu.memory_space<hbm>> -> memref<512xi32, #tpu.memory_space<hbm>>
      tpu.enqueue_dma source(%dma_start3A_22 : memref<512xi32, #tpu.memory_space<hbm>>) target(%arg11 : memref<512xi32, #tpu.memory_space<vmem>>) target_semaphore(%run_scoped3A : memref<!tpu.dma_semaphore, #tpu.memory_space<semaphore_mem>>)
      %dma_wait3A_23 = tpu.memref_slice %arg3[%mul3A_2] : memref<16384xi32, #tpu.memory_space<hbm>> -> memref<512xi32, #tpu.memory_space<hbm>>
      %dma_wait3A_24 = tpu.memref_slice %arg3[%mul3A_2] : memref<16384xi32, #tpu.memory_space<hbm>> -> memref<512xi32, #tpu.memory_space<hbm>>
      tpu.wait_dma2 semaphore(%run_scoped3A : memref<!tpu.dma_semaphore, #tpu.memory_space<semaphore_mem>>) src(%dma_wait3A_24 : memref<512xi32, #tpu.memory_space<hbm>>) dst(%arg11 : memref<512xi32, #tpu.memory_space<vmem>>)
      tpu.yield
    }) : () -> ()
    "tpu.region"() ({
      %run_scoped3A = tpu.sem_alloc : memref<!tpu.dma_semaphore, #tpu.memory_space<semaphore_mem>>
      %dma_start3A_21 = tpu.memref_slice %arg4[%mul3A_4] : memref<65536xi32, #tpu.memory_space<hbm>> -> memref<2048xi32, #tpu.memory_space<hbm>>
      %dma_start3A_22 = tpu.memref_slice %arg4[%mul3A_4] : memref<65536xi32, #tpu.memory_space<hbm>> -> memref<2048xi32, #tpu.memory_space<hbm>>
      tpu.enqueue_dma source(%dma_start3A_22 : memref<2048xi32, #tpu.memory_space<hbm>>) target(%arg12 : memref<2048xi32, #tpu.memory_space<vmem>>) target_semaphore(%run_scoped3A : memref<!tpu.dma_semaphore, #tpu.memory_space<semaphore_mem>>)
      %dma_wait3A_23 = tpu.memref_slice %arg4[%mul3A_4] : memref<65536xi32, #tpu.memory_space<hbm>> -> memref<2048xi32, #tpu.memory_space<hbm>>
      %dma_wait3A_24 = tpu.memref_slice %arg4[%mul3A_4] : memref<65536xi32, #tpu.memory_space<hbm>> -> memref<2048xi32, #tpu.memory_space<hbm>>
      tpu.wait_dma2 semaphore(%run_scoped3A : memref<!tpu.dma_semaphore, #tpu.memory_space<semaphore_mem>>) src(%dma_wait3A_24 : memref<2048xi32, #tpu.memory_space<hbm>>) dst(%arg12 : memref<2048xi32, #tpu.memory_space<vmem>>)
      tpu.yield
    }) : () -> ()
    %dma_start3A = arith.constant 0 : i32
    %dma_start3A_5 = tpu.memref_slice %arg5[%dma_start3A] : memref<100000xf32, #tpu.memory_space<hbm>> -> memref<100000xf32, #tpu.memory_space<hbm>>
    tpu.enqueue_indirect_dma source(%dma_start3A_5 : memref<100000xf32, #tpu.memory_space<hbm>>) target(%arg13 : memref<512xf32, #tpu.memory_space<vmem>>) offsets(%arg10 : memref<512xi32, #tpu.memory_space<vmem>>) semaphore(%arg17 : memref<!tpu.dma_semaphore, #tpu.memory_space<semaphore_mem>>)
    %dma_start3A_6 = arith.constant 0 : i32
    %dma_start3A_7 = tpu.memref_slice %arg6[%dma_start3A_6] : memref<100000xf32, #tpu.memory_space<hbm>> -> memref<100000xf32, #tpu.memory_space<hbm>>
    tpu.enqueue_indirect_dma source(%dma_start3A_7 : memref<100000xf32, #tpu.memory_space<hbm>>) target(%arg14 : memref<512xf32, #tpu.memory_space<vmem>>) offsets(%arg11 : memref<512xi32, #tpu.memory_space<vmem>>) semaphore(%arg17 : memref<!tpu.dma_semaphore, #tpu.memory_space<semaphore_mem>>)
    %dma_start3A_8 = arith.constant 0 : i32
    %dma_start3A_9 = tpu.memref_slice %arg6[%dma_start3A_8] : memref<100000xf32, #tpu.memory_space<hbm>> -> memref<100000xf32, #tpu.memory_space<hbm>>
    tpu.enqueue_indirect_dma source(%dma_start3A_9 : memref<100000xf32, #tpu.memory_space<hbm>>) target(%arg15 : memref<2048xf32, #tpu.memory_space<vmem>>) offsets(%arg12 : memref<2048xi32, #tpu.memory_space<vmem>>) semaphore(%arg17 : memref<!tpu.dma_semaphore, #tpu.memory_space<semaphore_mem>>)
    %dma_wait3A = arith.constant 0 : i32
    %dma_wait3A_10 = tpu.memref_slice %arg5[%dma_wait3A] : memref<100000xf32, #tpu.memory_space<hbm>> -> memref<100000xf32, #tpu.memory_space<hbm>>
    tpu.wait_indirect_dma semaphore(%arg17 : memref<!tpu.dma_semaphore, #tpu.memory_space<semaphore_mem>>) src(%dma_wait3A_10 : memref<100000xf32, #tpu.memory_space<hbm>>) dst(%arg13 : memref<512xf32, #tpu.memory_space<vmem>>)
    %dma_wait3A_11 = arith.constant 0 : i32
    %dma_wait3A_12 = tpu.memref_slice %arg6[%dma_wait3A_11] : memref<100000xf32, #tpu.memory_space<hbm>> -> memref<100000xf32, #tpu.memory_space<hbm>>
    tpu.wait_indirect_dma semaphore(%arg17 : memref<!tpu.dma_semaphore, #tpu.memory_space<semaphore_mem>>) src(%dma_wait3A_12 : memref<100000xf32, #tpu.memory_space<hbm>>) dst(%arg14 : memref<512xf32, #tpu.memory_space<vmem>>)
    %dma_wait3A_13 = arith.constant 0 : i32
    %dma_wait3A_14 = tpu.memref_slice %arg6[%dma_wait3A_13] : memref<100000xf32, #tpu.memory_space<hbm>> -> memref<100000xf32, #tpu.memory_space<hbm>>
    tpu.wait_indirect_dma semaphore(%arg17 : memref<!tpu.dma_semaphore, #tpu.memory_space<semaphore_mem>>) src(%dma_wait3A_14 : memref<100000xf32, #tpu.memory_space<hbm>>) dst(%arg15 : memref<2048xf32, #tpu.memory_space<vmem>>)
    %scan3A = arith.constant 0 : i32
    %scan3A_15 = arith.constant 0 : i32
    %scan3A_16 = arith.constant 32 : i32
    %scan3A_17 = arith.addi %scan3A_15, %scan3A_16 : i32
    %scan3A_18 = arith.constant 1 : i32
    %scan3A_19 = scf.for %scan3A_21 = %scan3A_15 to %scan3A_17 step %scan3A_18 iter_args(%scan3A_22 = %scan3A) -> (i32)  : i32 {
      %mul3A_23 = arith.constant 16 : i32
      %mul3A_24 = arith.muli %scan3A_21, %mul3A_23 : i32
      %get3A = arith.index_cast %mul3A_24 : i32 to index
      %get3A_25 = tpu.vector_load %arg13[%get3A] {strides = array<i32>} : memref<512xf32, #tpu.memory_space<vmem>>, vector<16xf32>,
      %get3A_26 = vector.shape_cast %get3A_25 : vector<16xf32> to vector<16xf32>
      %get3A_27 = arith.index_cast %mul3A_24 : i32 to index
      %get3A_28 = tpu.vector_load %arg14[%get3A_27] {strides = array<i32>} : memref<512xf32, #tpu.memory_space<vmem>>, vector<16xf32>,
      %get3A_29 = vector.shape_cast %get3A_28 : vector<16xf32> to vector<16xf32>
      %add3A_30 = arith.addf %get3A_26, %get3A_29 : vector<16xf32>
      %swap3A = arith.index_cast %mul3A_24 : i32 to index
      %swap3A_31 = tpu.vector_load %arg16[%swap3A] {strides = array<i32>} : memref<512xf32, #tpu.memory_space<vmem>>, vector<16xf32>,
      %swap3A_32 = vector.shape_cast %swap3A_31 : vector<16xf32> to vector<16xf32>
      %swap3A_33 = vector.shape_cast %add3A_30 : vector<16xf32> to vector<16xf32>
      tpu.vector_store %arg16[%swap3A], %swap3A_33 {strides = array<i32>} : memref<512xf32, #tpu.memory_space<vmem>>, vector<16xf32>,
      %scan3A_34 = arith.constant 0 : i32
      scf.yield %scan3A_34 : i32
    }
    %scan3A_20 = arith.constant 32 : i32
    "tpu.region"() ({
      %run_scoped3A = tpu.sem_alloc : memref<!tpu.dma_semaphore, #tpu.memory_space<semaphore_mem>>
      %dma_start3A_21 = tpu.memref_slice %arg7[%mul3A_2] : memref<16384xf32, #tpu.memory_space<hbm>> -> memref<512xf32, #tpu.memory_space<hbm>>
      %dma_start3A_22 = tpu.memref_slice %arg7[%mul3A_2] : memref<16384xf32, #tpu.memory_space<hbm>> -> memref<512xf32, #tpu.memory_space<hbm>>
      tpu.enqueue_dma source(%arg16 : memref<512xf32, #tpu.memory_space<vmem>>) target(%dma_start3A_22 : memref<512xf32, #tpu.memory_space<hbm>>) target_semaphore(%run_scoped3A : memref<!tpu.dma_semaphore, #tpu.memory_space<semaphore_mem>>)
      %dma_wait3A_23 = tpu.memref_slice %arg7[%mul3A_2] : memref<16384xf32, #tpu.memory_space<hbm>> -> memref<512xf32, #tpu.memory_space<hbm>>
      %dma_wait3A_24 = tpu.memref_slice %arg7[%mul3A_2] : memref<16384xf32, #tpu.memory_space<hbm>> -> memref<512xf32, #tpu.memory_space<hbm>>
      tpu.wait_dma2 semaphore(%run_scoped3A : memref<!tpu.dma_semaphore, #tpu.memory_space<semaphore_mem>>) src(%arg16 : memref<512xf32, #tpu.memory_space<vmem>>) dst(%dma_wait3A_24 : memref<512xf32, #tpu.memory_space<hbm>>)
      tpu.yield
    }) : () -> ()
    "tpu.region"() ({
      %run_scoped3A = tpu.sem_alloc : memref<!tpu.dma_semaphore, #tpu.memory_space<semaphore_mem>>
      %dma_start3A_21 = tpu.memref_slice %arg8[%mul3A_2] : memref<16384xf32, #tpu.memory_space<hbm>> -> memref<512xf32, #tpu.memory_space<hbm>>
      %dma_start3A_22 = tpu.memref_slice %arg8[%mul3A_2] : memref<16384xf32, #tpu.memory_space<hbm>> -> memref<512xf32, #tpu.memory_space<hbm>>
      tpu.enqueue_dma source(%arg13 : memref<512xf32, #tpu.memory_space<vmem>>) target(%dma_start3A_22 : memref<512xf32, #tpu.memory_space<hbm>>) target_semaphore(%run_scoped3A : memref<!tpu.dma_semaphore, #tpu.memory_space<semaphore_mem>>)
      %dma_wait3A_23 = tpu.memref_slice %arg8[%mul3A_2] : memref<16384xf32, #tpu.memory_space<hbm>> -> memref<512xf32, #tpu.memory_space<hbm>>
      %dma_wait3A_24 = tpu.memref_slice %arg8[%mul3A_2] : memref<16384xf32, #tpu.memory_space<hbm>> -> memref<512xf32, #tpu.memory_space<hbm>>
      tpu.wait_dma2 semaphore(%run_scoped3A : memref<!tpu.dma_semaphore, #tpu.memory_space<semaphore_mem>>) src(%arg13 : memref<512xf32, #tpu.memory_space<vmem>>) dst(%dma_wait3A_24 : memref<512xf32, #tpu.memory_space<hbm>>)
      tpu.yield
    }) : () -> ()
    "tpu.region"() ({
      %run_scoped3A = tpu.sem_alloc : memref<!tpu.dma_semaphore, #tpu.memory_space<semaphore_mem>>
      %dma_start3A_21 = tpu.memref_slice %arg9[%mul3A_4] : memref<65536xf32, #tpu.memory_space<hbm>> -> memref<2048xf32, #tpu.memory_space<hbm>>
      %dma_start3A_22 = tpu.memref_slice %arg9[%mul3A_4] : memref<65536xf32, #tpu.memory_space<hbm>> -> memref<2048xf32, #tpu.memory_space<hbm>>
      tpu.enqueue_dma source(%arg15 : memref<2048xf32, #tpu.memory_space<vmem>>) target(%dma_start3A_22 : memref<2048xf32, #tpu.memory_space<hbm>>) target_semaphore(%run_scoped3A : memref<!tpu.dma_semaphore, #tpu.memory_space<semaphore_mem>>)
      %dma_wait3A_23 = tpu.memref_slice %arg9[%mul3A_4] : memref<65536xf32, #tpu.memory_space<hbm>> -> memref<2048xf32, #tpu.memory_space<hbm>>
      %dma_wait3A_24 = tpu.memref_slice %arg9[%mul3A_4] : memref<65536xf32, #tpu.memory_space<hbm>> -> memref<2048xf32, #tpu.memory_space<hbm>>
      tpu.wait_dma2 semaphore(%run_scoped3A : memref<!tpu.dma_semaphore, #tpu.memory_space<semaphore_mem>>) src(%arg15 : memref<2048xf32, #tpu.memory_space<vmem>>) dst(%dma_wait3A_24 : memref<2048xf32, #tpu.memory_space<hbm>>)
      tpu.yield
    }) : () -> ()
    return
  }
}

module attributes {stable_mosaic.version = 14 : i64} {
  func.func @_tc_body(%arg0: i32, %arg1: memref<64x12800xf32, #tpu.memory_space<vmem>>, %arg2: memref<64x256xf32, #tpu.memory_space<vmem>>, %arg3: memref<64x1024xf32, #tpu.memory_space<vmem>>, %arg4: memref<1x256xf32, #tpu.memory_space<vmem>>, %arg5: memref<64x64xf32, #tpu.memory_space<vmem>>, %arg6: memref<64x64xf32, #tpu.memory_space<vmem>>, %arg7: memref<12800x256xf32, #tpu.memory_space<vmem>>, %arg8: memref<256x1024xf32, #tpu.memory_space<vmem>>, %arg9: memref<1x256xf32, #tpu.memory_space<vmem>>, %arg10: memref<1x1024xf32, #tpu.memory_space<vmem>>) attributes {dimension_semantics = [#tpu.dimension_semantics<arbitrary>], iteration_bounds = array<i64: 64>, scalar_prefetch = 0 : i64, scratch_operands = 0 : i64, tpu.core_type = #tpu.core_type<tc>, window_params = [{transform_indices = @transform_0, window_bounds = array<i64: 64, 12800>}, {transform_indices = @transform_1, window_bounds = array<i64: 64, 256>}, {transform_indices = @transform_2, window_bounds = array<i64: 64, 1024>}, {transform_indices = @transform_3, window_bounds = array<i64: 1, 256>}, {pipeline_mode = #tpu.pipeline_mode<synchronous>, transform_indices = @transform_4, window_bounds = array<i64: 64, 64>}, {pipeline_mode = #tpu.pipeline_mode<synchronous>, transform_indices = @transform_5, window_bounds = array<i64: 64, 64>}, {pipeline_mode = #tpu.pipeline_mode<synchronous>, transform_indices = @transform_6, window_bounds = array<i64: 12800, 256>}, {pipeline_mode = #tpu.pipeline_mode<synchronous>, transform_indices = @transform_7, window_bounds = array<i64: 256, 1024>}, {transform_indices = @transform_8, window_bounds = array<i64: 1, 256>}, {transform_indices = @transform_9, window_bounds = array<i64: 1, 1024>}]} {
    %get3A = arith.constant 0 : index
    %get3A_0 = arith.constant 0 : index
    %get3A_1 = vector.load %arg1[%get3A, %get3A_0] : memref<64x12800xf32, #tpu.memory_space<vmem>>, vector<64x12800xf32>
    %get3A_2 = arith.constant 0 : index
    %get3A_3 = arith.constant 0 : index
    %get3A_4 = vector.load %arg7[%get3A_2, %get3A_3] : memref<12800x256xf32, #tpu.memory_space<vmem>>, vector<12800x256xf32>
    %dot_general3A = arith.constant dense<0.000000e+00> : vector<64x256xf32>
    %dot_general3A_5 = tpu.matmul %get3A_1, %get3A_4, %dot_general3A {dimension_numbers = #tpu.dot_dimension_numbers<[1], [0], [0], [1], [0, 0, 1, 1], [], []>, transpose_lhs_hint = false} : vector<64x12800xf32>, vector<12800x256xf32>, vector<64x256xf32> -> vector<64x256xf32>
    %get3A_6 = arith.constant 0 : index
    %get3A_7 = arith.constant 0 : index
    %get3A_8 = vector.load %arg2[%get3A_6, %get3A_7] : memref<64x256xf32, #tpu.memory_space<vmem>>, vector<64x256xf32>
    %get3A_9 = arith.constant 0 : index
    %get3A_10 = arith.constant 0 : index
    %get3A_11 = vector.load %arg4[%get3A_9, %get3A_10] : memref<1x256xf32, #tpu.memory_space<vmem>>, vector<1x256xf32>
    %mul3A = vector.broadcast %get3A_11 : vector<1x256xf32> to vector<64x256xf32>
    %mul3A_12 = arith.mulf %get3A_8, %mul3A : vector<64x256xf32>
    %sub3A = arith.subf %dot_general3A_5, %mul3A_12 : vector<64x256xf32>
    %get3A_13 = arith.constant 0 : index
    %get3A_14 = arith.constant 0 : index
    %get3A_15 = vector.load %arg5[%get3A_13, %get3A_14] : memref<64x64xf32, #tpu.memory_space<vmem>>, vector<64x64xf32>
    %dot_general3A_16 = arith.constant dense<0.000000e+00> : vector<64x256xf32>
    %dot_general3A_17 = tpu.matmul %get3A_15, %sub3A, %dot_general3A_16 {dimension_numbers = #tpu.dot_dimension_numbers<[1], [0], [0], [1], [0, 0, 1, 1], [], []>, transpose_lhs_hint = false} : vector<64x64xf32>, vector<64x256xf32>, vector<64x256xf32> -> vector<64x256xf32>
    %get3A_18 = arith.constant 0 : index
    %get3A_19 = arith.constant 0 : index
    %get3A_20 = vector.load %arg6[%get3A_18, %get3A_19] : memref<64x64xf32, #tpu.memory_space<vmem>>, vector<64x64xf32>
    %dot_general3A_21 = arith.constant dense<0.000000e+00> : vector<64x256xf32>
    %dot_general3A_22 = tpu.matmul %get3A_20, %dot_general3A_17, %dot_general3A_21 {dimension_numbers = #tpu.dot_dimension_numbers<[1], [0], [0], [1], [0, 0, 1, 1], [], []>, transpose_lhs_hint = false} : vector<64x64xf32>, vector<64x256xf32>, vector<64x256xf32> -> vector<64x256xf32>
    %mul3A_23 = arith.mulf %dot_general3A_22, %get3A_8 : vector<64x256xf32>
    %reduce_sum3A = arith.constant dense<0.000000e+00> : vector<256xf32>
    %reduce_sum3A_24 = vector.multi_reduction <add>, %mul3A_23, %reduce_sum3A [0] : vector<64x256xf32> to vector<256xf32>
    %broadcast_in_dim3A = vector.shape_cast %reduce_sum3A_24 : vector<256xf32> to vector<1x256xf32>
    %swap3A = arith.constant 0 : index
    %swap3A_25 = arith.constant 0 : index
    %swap3A_26 = vector.load %arg9[%swap3A, %swap3A_25] : memref<1x256xf32, #tpu.memory_space<vmem>>, vector<1x256xf32>
    tpu.vector_store %arg9[%swap3A, %swap3A_25], %broadcast_in_dim3A {strides = array<i32>} : memref<1x256xf32, #tpu.memory_space<vmem>>, vector<1x256xf32>,
    %get3A_27 = arith.constant 0 : index
    %get3A_28 = arith.constant 0 : index
    %get3A_29 = vector.load %arg8[%get3A_27, %get3A_28] : memref<256x1024xf32, #tpu.memory_space<vmem>>, vector<256x1024xf32>
    %dot_general3A_30 = arith.constant dense<0.000000e+00> : vector<64x1024xf32>
    %dot_general3A_31 = tpu.matmul %dot_general3A_22, %get3A_29, %dot_general3A_30 {dimension_numbers = #tpu.dot_dimension_numbers<[1], [0], [0], [1], [0, 0, 1, 1], [], []>, transpose_lhs_hint = false} : vector<64x256xf32>, vector<256x1024xf32>, vector<64x1024xf32> -> vector<64x1024xf32>
    %get3A_32 = arith.constant 0 : index
    %get3A_33 = arith.constant 0 : index
    %get3A_34 = vector.load %arg3[%get3A_32, %get3A_33] : memref<64x1024xf32, #tpu.memory_space<vmem>>, vector<64x1024xf32>
    %mul3A_35 = arith.mulf %get3A_34, %dot_general3A_31 : vector<64x1024xf32>
    %reduce_sum3A_36 = arith.constant dense<0.000000e+00> : vector<1024xf32>
    %reduce_sum3A_37 = vector.multi_reduction <add>, %mul3A_35, %reduce_sum3A_36 [0] : vector<64x1024xf32> to vector<1024xf32>
    %broadcast_in_dim3A_38 = vector.shape_cast %reduce_sum3A_37 : vector<1024xf32> to vector<1x1024xf32>
    %swap3A_39 = arith.constant 0 : index
    %swap3A_40 = arith.constant 0 : index
    %swap3A_41 = vector.load %arg10[%swap3A_39, %swap3A_40] : memref<1x1024xf32, #tpu.memory_space<vmem>>, vector<1x1024xf32>
    tpu.vector_store %arg10[%swap3A_39, %swap3A_40], %broadcast_in_dim3A_38 {strides = array<i32>} : memref<1x1024xf32, #tpu.memory_space<vmem>>, vector<1x1024xf32>,
    return
  }
  func.func @transform_0(%arg0: i32) -> (i32, i32) {
    %c0_i32 = arith.constant 0 : i32
    %c0_i32_0 = arith.constant 0 : i32
    return %c0_i32, %arg0 : i32, i32
  }
  func.func @transform_1(%arg0: i32) -> (i32, i32) {
    %c0_i32 = arith.constant 0 : i32
    %c0_i32_0 = arith.constant 0 : i32
    return %c0_i32, %arg0 : i32, i32
  }
  func.func @transform_2(%arg0: i32) -> (i32, i32) {
    %c0_i32 = arith.constant 0 : i32
    %c0_i32_0 = arith.constant 0 : i32
    return %c0_i32, %arg0 : i32, i32
  }
  func.func @transform_3(%arg0: i32) -> (i32, i32) {
    %c0_i32 = arith.constant 0 : i32
    %c0_i32_0 = arith.constant 0 : i32
    return %c0_i32, %arg0 : i32, i32
  }
  func.func @transform_4(%arg0: i32) -> (i32, i32) {
    %c0_i32 = arith.constant 0 : i32
    %c0_i32_0 = arith.constant 0 : i32
    %c0_i32_1 = arith.constant 0 : i32
    return %c0_i32, %c0_i32_0 : i32, i32
  }
  func.func @transform_5(%arg0: i32) -> (i32, i32) {
    %c0_i32 = arith.constant 0 : i32
    %c0_i32_0 = arith.constant 0 : i32
    %c0_i32_1 = arith.constant 0 : i32
    return %c0_i32, %c0_i32_0 : i32, i32
  }
  func.func @transform_6(%arg0: i32) -> (i32, i32) {
    %c0_i32 = arith.constant 0 : i32
    %c0_i32_0 = arith.constant 0 : i32
    %c0_i32_1 = arith.constant 0 : i32
    return %c0_i32, %c0_i32_0 : i32, i32
  }
  func.func @transform_7(%arg0: i32) -> (i32, i32) {
    %c0_i32 = arith.constant 0 : i32
    %c0_i32_0 = arith.constant 0 : i32
    %c0_i32_1 = arith.constant 0 : i32
    return %c0_i32, %c0_i32_0 : i32, i32
  }
  func.func @transform_8(%arg0: i32) -> (i32, i32) {
    %c0_i32 = arith.constant 0 : i32
    %c0_i32_0 = arith.constant 0 : i32
    return %c0_i32, %arg0 : i32, i32
  }
  func.func @transform_9(%arg0: i32) -> (i32, i32) {
    %c0_i32 = arith.constant 0 : i32
    %c0_i32_0 = arith.constant 0 : i32
    return %c0_i32, %arg0 : i32, i32
  }
}

module attributes {stable_mosaic.version = 14 : i64} {
  func.func @_combine_body(%arg0: i32, %arg1: memref<1x512xf32, #tpu.memory_space<vmem>>, %arg2: memref<1x2048xf32, #tpu.memory_space<vmem>>, %arg3: memref<1x512xf32, #tpu.memory_space<vmem>>, %arg4: memref<1x512xf32, #tpu.memory_space<vmem>>, %arg5: memref<1x2048xf32, #tpu.memory_space<vmem>>, %arg6: memref<512x2048xf32, #tpu.memory_space<vmem>>, %arg7: memref<1x512xf32, #tpu.memory_space<vmem>>, %arg8: memref<1x2048xf32, #tpu.memory_space<vmem>>) attributes {dimension_semantics = [#tpu.dimension_semantics<arbitrary>], iteration_bounds = array<i64: 32>, scalar_prefetch = 0 : i64, scratch_operands = 0 : i64, tpu.core_type = #tpu.core_type<tc>, window_params = [{transform_indices = @transform_0, window_bounds = array<i64: 1, 512>}, {transform_indices = @transform_1, window_bounds = array<i64: 1, 2048>}, {transform_indices = @transform_2, window_bounds = array<i64: 1, 512>}, {transform_indices = @transform_3, window_bounds = array<i64: 1, 512>}, {transform_indices = @transform_4, window_bounds = array<i64: 1, 2048>}, {pipeline_mode = #tpu.pipeline_mode<synchronous>, transform_indices = @transform_5, window_bounds = array<i64: 512, 2048>}, {transform_indices = @transform_6, window_bounds = array<i64: 1, 512>}, {transform_indices = @transform_7, window_bounds = array<i64: 1, 2048>}]} {
    %get3A = arith.constant 0 : index
    %get3A_0 = arith.constant 0 : index
    %get3A_1 = vector.load %arg1[%get3A, %get3A_0] : memref<1x512xf32, #tpu.memory_space<vmem>>, vector<1x512xf32>
    %get3A_2 = arith.constant 0 : index
    %get3A_3 = arith.constant 0 : index
    %get3A_4 = vector.load %arg3[%get3A_2, %get3A_3] : memref<1x512xf32, #tpu.memory_space<vmem>>, vector<1x512xf32>
    %add3A = arith.addf %get3A_1, %get3A_4 : vector<1x512xf32>
    %swap3A = arith.constant 0 : index
    %swap3A_5 = arith.constant 0 : index
    %swap3A_6 = vector.load %arg7[%swap3A, %swap3A_5] : memref<1x512xf32, #tpu.memory_space<vmem>>, vector<1x512xf32>
    tpu.vector_store %arg7[%swap3A, %swap3A_5], %add3A {strides = array<i32>} : memref<1x512xf32, #tpu.memory_space<vmem>>, vector<1x512xf32>,
    %get3A_7 = arith.constant 0 : index
    %get3A_8 = arith.constant 0 : index
    %get3A_9 = vector.load %arg4[%get3A_7, %get3A_8] : memref<1x512xf32, #tpu.memory_space<vmem>>, vector<1x512xf32>
    %get3A_10 = arith.constant 0 : index
    %get3A_11 = arith.constant 0 : index
    %get3A_12 = vector.load %arg6[%get3A_10, %get3A_11] : memref<512x2048xf32, #tpu.memory_space<vmem>>, vector<512x2048xf32>
    %dot_general3A = arith.constant dense<0.000000e+00> : vector<1x2048xf32>
    %dot_general3A_13 = tpu.matmul %get3A_9, %get3A_12, %dot_general3A {dimension_numbers = #tpu.dot_dimension_numbers<[1], [0], [0], [1], [0, 0, 1, 1], [], []>, transpose_lhs_hint = false} : vector<1x512xf32>, vector<512x2048xf32>, vector<1x2048xf32> -> vector<1x2048xf32>
    %get3A_14 = arith.constant 0 : index
    %get3A_15 = arith.constant 0 : index
    %get3A_16 = vector.load %arg2[%get3A_14, %get3A_15] : memref<1x2048xf32, #tpu.memory_space<vmem>>, vector<1x2048xf32>
    %add3A_17 = arith.addf %get3A_16, %dot_general3A_13 : vector<1x2048xf32>
    %get3A_18 = arith.constant 0 : index
    %get3A_19 = arith.constant 0 : index
    %get3A_20 = vector.load %arg5[%get3A_18, %get3A_19] : memref<1x2048xf32, #tpu.memory_space<vmem>>, vector<1x2048xf32>
    %add3A_21 = arith.addf %add3A_17, %get3A_20 : vector<1x2048xf32>
    %swap3A_22 = arith.constant 0 : index
    %swap3A_23 = arith.constant 0 : index
    %swap3A_24 = vector.load %arg8[%swap3A_22, %swap3A_23] : memref<1x2048xf32, #tpu.memory_space<vmem>>, vector<1x2048xf32>
    tpu.vector_store %arg8[%swap3A_22, %swap3A_23], %add3A_21 {strides = array<i32>} : memref<1x2048xf32, #tpu.memory_space<vmem>>, vector<1x2048xf32>,
    return
  }
  func.func @transform_0(%arg0: i32) -> (i32, i32) {
    %c0_i32 = arith.constant 0 : i32
    %c0_i32_0 = arith.constant 0 : i32
    return %c0_i32, %arg0 : i32, i32
  }
  func.func @transform_1(%arg0: i32) -> (i32, i32) {
    %c0_i32 = arith.constant 0 : i32
    %c0_i32_0 = arith.constant 0 : i32
    return %c0_i32, %arg0 : i32, i32
  }
  func.func @transform_2(%arg0: i32) -> (i32, i32) {
    %c0_i32 = arith.constant 0 : i32
    %c0_i32_0 = arith.constant 0 : i32
    return %c0_i32, %arg0 : i32, i32
  }
  func.func @transform_3(%arg0: i32) -> (i32, i32) {
    %c0_i32 = arith.constant 0 : i32
    %c0_i32_0 = arith.constant 0 : i32
    return %c0_i32, %arg0 : i32, i32
  }
  func.func @transform_4(%arg0: i32) -> (i32, i32) {
    %c0_i32 = arith.constant 0 : i32
    %c0_i32_0 = arith.constant 0 : i32
    return %c0_i32, %arg0 : i32, i32
  }
  func.func @transform_5(%arg0: i32) -> (i32, i32) {
    %c0_i32 = arith.constant 0 : i32
    %c0_i32_0 = arith.constant 0 : i32
    %c0_i32_1 = arith.constant 0 : i32
    return %c0_i32, %c0_i32_0 : i32, i32
  }
  func.func @transform_6(%arg0: i32) -> (i32, i32) {
    %c0_i32 = arith.constant 0 : i32
    %c0_i32_0 = arith.constant 0 : i32
    return %c0_i32, %arg0 : i32, i32
  }
  func.func @transform_7(%arg0: i32) -> (i32, i32) {
    %c0_i32 = arith.constant 0 : i32
    %c0_i32_0 = arith.constant 0 : i32
    return %c0_i32, %arg0 : i32, i32
  }
}

</mosaic_0001>

<sc_bundles>
// kernel: kernel.5.cloned.1.call-start
scs
__scs_entry_jumppad:
0x0: {  	(pc) =	sbr.rel $0x88, $3  }
0x1: {  	(tag) =	ssettag $0x0;
	lr =	simm.s32 $0x1  }
0x2: {  	[smem:$0x3F96] =	sst lr;
	_ =	strace $0xD0000000  }
0x3: {  	_ = 	snop  }
0x4: {  	_ = 	snop  }
0x5: {  	_ = 	snop  }
0x6: {  	_ = 	snop  }
0x7: {  	_ = 	snop  }
__scs_overlays_trampoline_lowered:
0x8: {  	[smem:$0x3FA5] =	sst s0  }
0x9: {  	[smem:$0x3FA6] =	sst s1  }
0xa: {  	[smem:$0x3FA7] =	sst s2  }
0xb: {  	[smem:$0x3FA8] =	sst s3  }
0xc: {  	[smem:$0x3FA9] =	sst s4  }
0xd: {  	[smem:$0x3FAA] =	sst s5  }
0xe: {  	[smem:$0x3FAB] =	sst s6  }
0xf: {  	[smem:$0x3FAC] =	sst s7  }
0x10: {  	[smem:$0x3FAD] =	sst s8  }
0x11: {  	[smem:$0x3FAE] =	sst s9;
	s0 =	simm.s32 @!p0 $0x0  }
0x12: {  	s1 =	sld [smem:$0x3F94];
	s0 =	simm.s32 @p0 $0x1  }
0x13: {  	[smem:$0x3FAF] =	sst s0;
	s0 =	simm.s32 @!p1 $0x0  }
0x14: {  	s2 =	sld [smem:$0x3F93];
	s0 =	simm.s32 @p1 $0x1  }
0x15: {  	[smem:$0x3FB0] =	sst s0;
	s0 =	simm.s32 @!p2 $0x0  }
0x16: {  	s3 =	sld [smem:$0x3FDB];
	s0 =	simm.s32 @p2 $0x1  }
0x17: {  	s4 =	simm.s32 $0x1BF5;
	[smem:$0x3FB2] =	sst s0  }
0x18: {  	s0 =	sld [smem:$0x3F95];
	_ =	swait.ge [sflag:s4], $0x0  }
0x19: {  	s7 =	sld [smem:$0x3F96]  }
0x1a: {  	s8 =	sadd.s32 $0xFFFFE003, lr  }
0x1b: {  	s9 =	sadd.s32 $0xFFFFFEF7, lr;
	s5 =	simm.s32 $0xFFFFFFFF;
	p2 =	slt.u32 s8, $0xFFFFF086  }
0x1c: {  	p1 =	slt.u32 s9, $0xF7A;
	s5 =	simm.s32 @!p2 $0x0  }
0x1d: {  	s5 =	simm.s32 @p1 $0x1;
	p0 =	seq.s32 s7, s2  }
0x1e: {  	s7 =	smul.u32 @!p0 $0xF7A, s2;
	p2 =	seq.s32 @!p0 s5, $0x0  }
0x1f: {  	s9 =	smul.u32 $0xF7A, s1;
	s8 =	simm.s32 @!p0 $0x1BF5;
	p2 =	por !p2, p0  }
0x20: {  	[sflag:s8] =	ssyncset.s32 @!p0 $0xFFFFF086;
	s6 =	sadd.s32 @!p0 s3, s7;
	s7 =	simm.s32 @!p0 $0x108  }
0x21: {  	s3 =	sadd.s32 s3, s9;
	s6 =	sadd.s32 @!p0 $0x88, s6;
	s7 =	simm.s32 @p2 $0x1082  }
0x22: {  	[simem:s7], [sflag:s8] =	dma.local @!p0 [hbm:s6], $0xF7A  }
0x23: {  	s9 =	sor.u32 $0xD0000000, s2;
	s6 =	simm.s32 $0x108;
	_ =	swait.ge @!p0 [sflag:s8], $0x0  }
0x24: {  	s3 =	sadd.s32 $0x88, s3;
	s6 =	simm.s32 @!p1 $0x1082;
	[sflag:s4] =	ssyncset.s32 $0xFFFFF086  }
0x25: {  	[simem:s6], [sflag:s4] =	dma.local [hbm:s3], $0xF7A  }
0x26: {  	[smem:$0x3F96] =	sst s1;
	(tag) =	ssettag s2;
	_ =	strace s9  }
0x27: {  	s1 =	sld [smem:$0x3FA6]  }
0x28: {  	s2 =	sld [smem:$0x3FA7]  }
0x29: {  	s4 =	sld [smem:$0x3FA9]  }
0x2a: {  	p0 =	seq.s32 s5, $0x0;
	s5 =	sld [smem:$0x3FAA]  }
0x2b: {  	s6 =	sld [smem:$0x3FAB]  }
0x2c: {  	s7 =	sld [smem:$0x3FAC]  }
0x2d: {  	s3 =	simm.s32 $0x108;
	s8 =	sld [smem:$0x3FAD]  }
0x2e: {  	s3 =	simm.s32 @!p0 $0x1082;
	s9 =	sld [smem:$0x3FAE]  }
0x2f: {  	lr =	sadd.s32 s0, s3;
	s0 =	sld [smem:$0x3FA5]  }
0x30: {  	s3 =	sld [smem:$0x3FA8]  }
0x31: {  	[smem:$0x3FB1] =	sst s10  }
0x32: {  	s10 =	sld [smem:$0x3FAF];
	_ =	sdelay $0x3  }
0x33: {  	p0 =	seq.s32 s10, $0x1;
	s10 =	sld [smem:$0x3FB1];
	_ =	sdelay $0x3  }
0x34: {  	[smem:$0x3FB1] =	sst s10  }
0x35: {  	s10 =	sld [smem:$0x3FB0];
	_ =	sdelay $0x3  }
0x36: {  	p1 =	seq.s32 s10, $0x1;
	s10 =	sld [smem:$0x3FB1];
	_ =	sdelay $0x3  }
0x37: {  	[smem:$0x3FB1] =	sst s10  }
0x38: {  	s10 =	sld [smem:$0x3FB2]  }
0x39: {  	_ = 	snop;
	(pc) =	sbr.ind lr, $3  }
0x3a: {  	_ = 	snop  }
0x3b: {  	_ = 	snop  }
0x3c: {  	p2 =	seq.s32 s10, $0x1;
	s10 =	sld [smem:$0x3FB1]  }
0x3d: {  	_ =	shalt  }
0x3e: {  	_ =	shalt  }
0x3f: {  	_ =	shalt  }
0x40: {  	_ =	shalt  }
0x41: {  	_ =	shalt  }
0x42: {  	_ =	shalt  }
0x43: {  	_ =	shalt  }
0x44: {  	_ =	shalt  }
0x45: {  	_ =	shalt  }
0x46: {  	_ =	shalt  }
0x47: {  	_ =	shalt  }
0x48: {  	_ =	shalt  }
0x49: {  	_ =	shalt  }
0x4a: {  	_ =	shalt  }
0x4b: {  	_ =	shalt  }
0x4c: {  	_ =	shalt  }
0x4d: {  	_ =	shalt  }
0x4e: {  	_ =	shalt  }
0x4f: {  	_ =	shalt  }
0x50: {  	_ =	shalt  }
0x51: {  	_ =	shalt  }
0x52: {  	_ =	shalt  }
0x53: {  	_ =	shalt  }
0x54: {  	_ =	shalt  }
0x55: {  	_ =	shalt  }
0x56: {  	_ =	shalt  }
0x57: {  	_ =	shalt  }
0x58: {  	_ =	shalt  }
0x59: {  	_ =	shalt  }
0x5a: {  	_ =	shalt  }
0x5b: {  	_ =	shalt  }
0x5c: {  	_ =	shalt  }
0x5d: {  	_ =	shalt  }
0x5e: {  	_ =	shalt  }
0x5f: {  	_ =	shalt  }
0x60: {  	_ =	shalt  }
0x61: {  	_ =	shalt  }
0x62: {  	_ =	shalt  }
0x63: {  	_ =	shalt  }
0x64: {  	_ =	shalt  }
0x65: {  	_ =	shalt  }
0x66: {  	_ =	shalt  }
0x67: {  	_ =	shalt  }
0x68: {  	_ =	shalt  }
0x69: {  	_ =	shalt  }
0x6a: {  	_ =	shalt  }
0x6b: {  	_ =	shalt  }
0x6c: {  	_ =	shalt  }
0x6d: {  	_ =	shalt  }
0x6e: {  	_ =	shalt  }
0x6f: {  	_ =	shalt  }
0x70: {  	_ =	shalt  }
0x71: {  	_ =	shalt  }
0x72: {  	_ =	shalt  }
0x73: {  	_ =	shalt  }
0x74: {  	_ =	shalt  }
0x75: {  	_ =	shalt  }
0x76: {  	_ =	shalt  }
0x77: {  	_ =	shalt  }
0x78: {  	_ =	shalt  }
0x79: {  	_ =	shalt  }
0x7a: {  	_ =	shalt  }
0x7b: {  	_ =	shalt  }
0x7c: {  	_ =	shalt  }
0x7d: {  	_ =	shalt  }
0x7e: {  	_ =	shalt  }
0x7f: {  	_ =	shalt  }
0x80: {  	_ =	shalt  }
0x81: {  	_ =	shalt  }
0x82: {  	_ =	shalt  }
0x83: {  	_ =	shalt  }
0x84: {  	_ =	shalt  }
0x85: {  	_ =	shalt  }
0x86: {  	_ =	shalt  }
0x87: {  	_ =	shalt  }
.Lfunc_end0:
.L_simem_size_0:
called_computation_lowered:
.L_overlay_start_0:
0x88: {  	s2 =	sld [smem:$0x3FD9]  }
0x89: {  	s3 =	sld [smem:$0x3FFE];
	_ =	sdelay $0x1  }
0x8a: {  	s1 =	srdreg.scid  }
0x8b: {  	s0 =	sand.u32 $0x1, s1  }
0x8c: {  	s14 =	sshll.u32 s0, $0xA;
	s2 =	sadd.s32 s3, s2  }
0x8d: {  	s2 =	sadd.s32 s2, s14  }
0x8e: {  	[smem:$0x3FBD] =	sst s2  }
0x8f: {  	_ = 	snop  }
0x90: {  	s2 =	sld [smem:$0x3FC9]  }
0x91: {  	s15 =	sld [smem:$0x3FD0]  }
0x92: {  	s4 =	sld [smem:$0x3FC8]  }
0x93: {  	s5 =	sld [smem:$0x3FC0]  }
0x94: {  	s7 =	simm.s32 $0xA;
	s8 =	simm.s32 $0x10;
	s6 =	sld [smem:$0x3FBF]  }
0x95: {  	[smem:s8], [sflag:s7] =	dma.local [hbm:s15], $0x1  }
0x96: {  	_ =	swait.eq [sflag:s7], $0x1  }
0x97: {  	[sflag:s7] =	ssyncset.done $0x0  }
0x98: {  	s16 =	sld [smem:$0x10];
	[sflag:s7] =	ssyncadd.s32 $0xFFFFFFFF  }
0x99: {  	s17 =	sld [smem:$0x11];
	(tm) =	ssettm $0x1  }
0x9a: {  	s18 =	sld [smem:$0x3FFB];
	_ =	sdelay $0x3  }
0x9b: {  	_ =	strace s18  }
0x9c: {  	s8 =	sld [smem:$0x3FFC];
	_ =	sdelay $0x3  }
0x9d: {  	_ =	strace s8  }
0x9e: {  	s8 =	sld [smem:$0x3FFD];
	_ =	sdelay $0x3  }
0x9f: {  	_ =	strace s8  }
0xa0: {  	_ =	strace $0x8FFFFFFF  }
0xa1: {  	s19 =	sld [smem:$0x3FDB];
	_ =	sdelay $0x1  }
0xa2: {  	s9 =	simm.s32 $_scs_section_size  }
0xa3: {  	s10 =	simm.s32 $_size__tile_overlayer_lowered;
	s11 =	simm.s32 $_tile_overlayer_lowered  }
0xa4: {  	s22 =	simm.s32 $0x1BFF;
	s21 =	sshll.u32 s11, $0x1;
	s8 =	sadd.s32 s9, s19  }
0xa5: {  	s12 =	simm.s32 $0x0;
	s20 =	sshll.u32 s10, $0x1;
	s10 =	sadd.s32 s21, s8  }
0xa6: {  	[timem:s12], [sflag:s22] =	dma.local [hbm:s10], s20  }
0xa7: {  	_ =	swait.ge [sflag:s22], s20  }
0xa8: {  	s9 =	ssub.s32 $0x0, s20;
	[sflag:s22] =	ssyncset.done $0x0  }
0xa9: {  	[sflag:s22] =	ssyncadd.s32 s9;
	_ =	sdelay $0x1  }
0xaa: {  	s23 =	simm.s32 $0x1B8B  }
0xab: {  	_ =	swait.ge [sflag:s23], $0x1  }
0xac: {  	[sflag:s23] =	ssyncset.done $0x0  }
0xad: {  	s25 =	simm.s32 $0x1B8E;
	s24 =	sld [smem:$0x3FFE];
	[sflag:s23] =	ssyncadd.s32 $0xFFFFFFFF  }
0xae: {  	s26 =	simm.s32 $execute0_lowered;
	[smem:$0x3FD2] =	sst s25  }
0xaf: {  	s10 =	sshll.u32 s26, $0x1;
	_ =	strace $0x80000046;
	[dreg:$0x1] =	wrdreg $0xFFFFFFFF  }
0xb0: {  	s28 =	simm.s32 $_size_execute0_lowered;
	s8 =	sadd.s32 s8, s10;
	[dreg:$0x0] =	wrdreg $0x0  }
0xb1: {  	s10 =	sshll.u32 s28, $0x1;
	[dreg:$0x2] =	wrdreg s8  }
0xb2: {  	[dreg:$0x3] =	wrdreg s10  }
0xb3: {  	[dreg:$0x4] =	wrdreg $0xC0  }
0xb4: {  	_ =	task [dreg:s12], $0x5FFFF  }
0xb5: {  	[dreg:$0x1] =	wrdreg $0xFFFFFFFF  }
0xb6: {  	[dreg:$0x0] =	wrdreg $0x60  }
0xb7: {  	[dreg:$0x2] =	wrdreg s4  }
0xb8: {  	[dreg:$0x3] =	wrdreg s2  }
0xb9: {  	[dreg:$0x4] =	wrdreg s17  }
0xba: {  	[dreg:$0x5] =	wrdreg s5  }
0xbb: {  	[dreg:$0x6] =	wrdreg s6  }
0xbc: {  	[dreg:$0x7] =	wrdreg s16  }
0xbd: {  	[dreg:$0x8] =	wrdreg s24  }
0xbe: {  	[dreg:$0x9] =	wrdreg $0x9  }
0xbf: {  	_ =	task.clear_ibuf [dreg:s12], $0xAFFFF;
	_ =	strace $0x90000046  }
0xc0: {  	s29 =	simm.s32 $0x9;
	_ =	strace $0x80000048  }
0xc1: {  	_ =	swait.ge [sflag:s29], $0x1  }
0xc2: {  	[sflag:s29] =	ssyncadd.s32 $0xFFFFFFFF  }
0xc3: {  	_ =	strace $0x90000048  }
0xc4: {  	_ =	sfence  }
0xc5: {  	s30 =	sld [smem:$0x0];
	_ =	sdelay $0x2  }
0xc6: {  	s31 =	sshll.u32 s1, $0xD;
	s1 =	sshrl.u32 s1, $0x2  }
0xc7: {  	s3 =	sand.u32 $0x4000, s31;
	s1 =	sadd.s32 s1, s30  }
0xc8: {  	s0 =	sor.u32 s3, s0;
	s1 =	sshll.u32 s1, $0x11  }
0xc9: {  	s0 =	sor.u32 s1, s0  }
0xca: {  	s0 =	sadd.s32 $0x8F2B, s0  }
0xcb: {  	[sflag:s0] =	ssyncadd.remote.s32 $0x1  }
0xcc: {  	_ =	sfence.sel $0xFFFF  }
0xcd: {  	[dreg:$0x0] =	wrdreg $0xFFFFFFFF;
	(pc) =	sbr.abs _section_cstart, $3  }
0xce: {  	[dreg:$0x1] =	wrdreg $0xFFFFFFFF  }
0xcf: {  	_ =	task.clear_ibuf [dreg:s12], $0x2FFFF;
	_ =	strace $0x9FFFFFFF  }
0xd0: {  	(tm) =	ssettm $0x7FFFFFFF  }
0xd1: {  	_ =	shalt  }
tec
execute0_lowered:
.L_overlay_start_1:
0x0: {  	(tag) =	ssettag $0x1  }
0x1: {  	s5 =	rddreg [dreg:$0x0]  }
0x2: {  	s6 =	rddreg [dreg:$0x1]  }
0x3: {  	s7 =	rddreg [dreg:$0x2]  }
0x4: {  	s1 =	rddreg [dreg:$0x3]  }
0x5: {  	s2 =	rddreg [dreg:$0x4]  }
0x6: {  	s8 =	rddreg [dreg:$0x5]  }
0x7: {  	s9 =	rddreg [dreg:$0x6]  }
0x8: {  	s0 =	rddreg [dreg:$0x7];
	s4 =	simm.s32 $0x0;
	s10 =	srdreg.scid  }
0x9: {  	s3 =	stileid.u32;
	s16 =	simm.s32 $0xE00;
	s17 =	simm.s32 $0x800  }
0xa: {  	s18 =	simm.s32 $0x1000;
	s19 =	simm.s32 $0x1;
	s20 =	simm.s32 $0x1800  }
0xb: {  	[smem:$0x7FF] =	sst s4;
	s10 =	sand.u32 $0x1, s10;
	s11 =	sshll.u32 s3, $0x1  }
0xc: {  	s21 =	simm.s32 $0x0;
	_ =	strace $0x80000047;
	s11 =	sor.u32 s10, s11  }
0xd: {  	s10 =	ssub.s32 $0x2, s10;
	s12 =	sshll.u32 s11, $0x6;
	s11 =	sshll.u32 s11, $0x8  }
0xe: {  	s31 =	sshrl.u32 s10, $0x1;
	s13 =	sadd.s32 s12, s9;
	s14 =	sadd.s32 s11, s9  }
0xf: {  	s15 =	ssub.s32 s10, s31;
	s5 =	sadd.s32 s5, s12;
	s6 =	sadd.s32 s6, s12  }
0x10: {  	s7 =	sadd.s32 s7, s11;
	s8 =	sadd.s32 s8, s12;
	s12 =	simm.s32 $0x2  }
0x11: {  	s9 =	sadd.s32 $0x3C00, s13;
	s10 =	sadd.s32 $0x1C00, s14;
	s11 =	smax.u32 s15, $0x1  }
0x12: {  	s13 =	simm.s32 $0x200;
	s14 =	simm.s32 $0x400;
	s15 =	simm.s32 $0xC00  }
.LBB2_1:
0x13: {  	[tilespmem:s4], [sflag:$0x2] =	stream.linear.gather [hbm4b:s5+s4], $0x200, $0x38;
	[tilespmem:$0x1A00] =	vst v63  }
0x14: {  	_ =	swait.ge [sflag:s12], $0x200  }
0x15: {  	[sflag:s12] =	ssyncset.done $0x0  }
0x16: {  	[sflag:s12] =	ssyncadd.s32 $0xFFFFFE00  }
0x17: {  	[tilespmem:s13], [sflag:$0x2] =	stream.linear.gather [hbm4b:s6+s4], $0x200, $0x38;
	[tilespmem:$0x1A00] =	vst v63  }
0x18: {  	_ =	swait.ge [sflag:s12], $0x200  }
0x19: {  	[sflag:s12] =	ssyncset.done $0x0  }
0x1a: {  	[sflag:s12] =	ssyncadd.s32 $0xFFFFFE00  }
0x1b: {  	[tilespmem:s14], [sflag:$0x2] =	stream.linear.gather [hbm4b:s7+s4], $0x800, $0x38;
	[tilespmem:$0x1A00] =	vst v63  }
0x1c: {  	_ =	swait.ge [sflag:s12], $0x800  }
0x1d: {  	[sflag:s12] =	ssyncset.done $0x0  }
0x1e: {  	[sflag:s12] =	ssyncadd.s32 $0xFFFFF800  }
0x1f: {  	[tilespmem:s15], [sflag:$0x1] =	stream.indirect.gather [hbm4b:s1+s13], $0x1, s4, s13, $0xb8;
	[tilespmem:$0x1A00] =	vst v63  }
0x20: {  	_ = 	snop  }
0x21: {  	[tilespmem:s16], [sflag:$0x1] =	stream.indirect.gather [hbm4b:s2+s13], $0x1, s13, s13, $0xb8;
	[tilespmem:$0x1A00] =	vst v63  }
0x22: {  	_ = 	snop  }
0x23: {  	[tilespmem:s18], [sflag:$0x1] =	stream.indirect.gather [hbm4b:s2+s17], $0x1, s14, s17, $0xb8;
	[tilespmem:$0x1A00] =	vst v63  }
0x24: {  	_ =	swait.ge [sflag:s19], $0x200  }
0x25: {  	[sflag:s19] =	ssyncset.done $0x0  }
0x26: {  	[sflag:s19] =	ssyncadd.s32 $0xFFFFFE00  }
0x27: {  	_ =	swait.ge [sflag:s19], $0x200  }
0x28: {  	[sflag:s19] =	ssyncset.done $0x0  }
0x29: {  	[sflag:s19] =	ssyncadd.s32 $0xFFFFFE00  }
0x2a: {  	_ =	swait.ge [sflag:s19], $0x800  }
0x2b: {  	[sflag:s19] =	ssyncset.done $0x0  }
0x2c: {  	s22 =	simm.s32 $0x0;
	[sflag:s19] =	ssyncadd.s32 $0xFFFFF800  }
0x2d: {  	v0 =	vld [tilespmem:s22+$0xC00]  }
0x2e: {  	s23 =	simm.s32 $0x40;
	v1 =	vld [tilespmem:s22+$0xE00]  }
.LBB2_2:
0x2f: {  	_ = 	snop  }
0x30: {  	p0 =	sne.s32 s23, $0x7C0  }
.Ltmp0:
0x31: {  	_ = 	snop;
	(pc) =	sbr.rel @p0 .LBB2_2-.Ltmp0, $4  }
0x32: {  	_ = 	snop  }
0x33: {  	s24 =	sshra.s32 s23, $0x2;
	v2 =	vadd.f32 v1, v0  }
0x34: {  	v0 =	vld [tilespmem:s24+$0xC00]  }
0x35: {  	s23 =	sadd.s32 $0x40, s23;
	v1 =	vld [tilespmem:s24+$0xE00];
	[tilespmem:s22+$0x1800] =	vst v2;
	s22 =	smov.u32 s24  }
0x36: {  	_ =	sdelay $0x3  }
0x37: {  	v0 =	vadd.f32 v1, v0;
	_ =	sdelay $0x1  }
0x38: {  	[tilespmem:s22+$0x1800] =	vst v0  }
0x39: {  	[hbm4b:s8+s4] =	stream.linear.scatter [tilespmem:s20], [sflag:$0x2], $0x200, $0x38;
	[tilespmem:$0x1A00] =	vst v63  }
0x3a: {  	_ =	swait.ge [sflag:s12], $0x200  }
0x3b: {  	[sflag:s12] =	ssyncset.done $0x0  }
0x3c: {  	[sflag:s12] =	ssyncadd.s32 $0xFFFFFE00  }
0x3d: {  	[hbm4b:s9+s4] =	stream.linear.scatter [tilespmem:s15], [sflag:$0x2], $0x200, $0x38;
	[tilespmem:$0x1A00] =	vst v63  }
0x3e: {  	s21 =	sadd.s32 $0x1, s21;
	_ =	swait.ge [sflag:s12], $0x200  }
0x3f: {  	p0 =	sne.s32 s21, s11;
	[sflag:s12] =	ssyncset.done $0x0  }
.Ltmp1:
0x40: {  	[sflag:s12] =	ssyncadd.s32 $0xFFFFFE00;
	(pc) =	sbr.rel @p0 .LBB2_1-.Ltmp1, $4  }
0x41: {  	[hbm4b:s10+s4] =	stream.linear.scatter [tilespmem:s18], [sflag:$0x2], $0x800, $0x38;
	[tilespmem:$0x1A00] =	vst v63  }
0x42: {  	_ =	swait.ge [sflag:s12], $0x800  }
0x43: {  	[sflag:s12] =	ssyncset.done $0x0  }
0x44: {  	[sflag:s12] =	ssyncadd.s32 $0xFFFFF800  }
0x45: {  	_ =	sfence.sel $0x180000  }
0x46: {  	[bflag:$0x0] =	sbarrier.arrive $0xFFFF  }
0x47: {  	p0 =	sne.s32 s3, $0x0;
	_ =	strace $0x90000047  }
0x48: {  	s0 =	sadd.s32 @!p0 $0x100000, s0;
	[bflag:$0x2] =	sbarrier.arrive $0xFFFF  }
0x49: {  	[sflag:s0] =	ssyncadd.tile.s32 @!p0 $0x1;
	_ =	shalt  }
.Lfunc_end2:
_tile_overlayer_lowered:
.L_overlay_start_2:
0x4a: {  	(tag) =	ssettag $0x2  }
0x4b: {  	s0 =	rddreg [dreg:$0x0];
	s2 =	stileid.u32  }
0x4c: {  	s1 =	rddreg [dreg:$0x1];
	p0 =	sne.s32 s2, $0x0  }
0x4d: {  	s3 =	rddreg [dreg:$0x2];
	[bflag:$0x3] =	sbarrier.arrive $0xFFFF;
	s2 =	simm.s32 @!p0 $0x1C02  }
0x4e: {  	[timem:s3], [sflag:s2] =	dma.local @!p0 [hbm:s0], s1  }
0x4f: {  	s0 =	simm.s32 @!p0 $0x2  }
0x50: {  	_ =	swait.ge @!p0 [sflag:s0], s1  }
0x51: {  	s1 =	ssub.s32 @!p0 $0x0, s1;
	[sflag:s0] =	ssyncset.done @!p0 $0x0  }
0x52: {  	[sflag:s0] =	ssyncadd.s32 @!p0 s1  }
0x53: {  	[bflag:$0x3] =	sbarrier.arrive $0xFFFF  }
0x54: {  	_ =	shalt  }

</sc_bundles>
